<compile_context>
chip_gen: v7x
topology: tpu7x:2x2x1
jax: 0.10.2.dev20260603
libtpu: 0.0.44.dev20260713+nightly
codegen_flags: <defaults>
</compile_context>

<pallas_src>
import functools

import jax
import jax.numpy as jnp
from jax import lax
from jax.experimental import pallas as pl
from jax.experimental.pallas import tpu as pltpu
from jax.experimental.pallas import tpu_sc as plsc

DIM = 2048
NUM_EXPERTS = 64
NUM_PATTERNS = 16
TOP_K = 2
BATCH = 4
SEQ = 2048
TOKENS = BATCH * SEQ

TS = 1024

NC, NS, LANES = 2, 16, 16
NSEG = NUM_EXPERTS // LANES


def _sc_bias_gather(pw_hbm, ids_hbm, bias_out, pw_v, ids_v, bias_v):
    wid = lax.axis_index("s") * NC + lax.axis_index("c")

    @pl.when(wid == 0)
    def _():
        pltpu.sync_copy(pw_hbm, pw_v)
        pltpu.sync_copy(ids_hbm, ids_v)
        iota = lax.iota(jnp.int32, LANES)
        ids_vec = ids_v[...]
        for b in range(BATCH):
            pid_s = jnp.max(jnp.where(iota == b, ids_vec, 0), axis=0)
            pid = jnp.full((LANES,), pid_s, jnp.int32)
            for j in range(NSEG):
                bias_v[b, LANES * j:LANES * (j + 1)] = plsc.load_gather(
                    pw_v, [pid, iota + LANES * j])
        pltpu.sync_copy(bias_v, bias_out)


_sc_bias_call = functools.partial(
    pl.kernel,
    out_type=jax.ShapeDtypeStruct((BATCH, NUM_EXPERTS), jnp.float32),
    mesh=plsc.VectorSubcoreMesh(core_axis_name="c", subcore_axis_name="s"),
    compiler_params=pltpu.CompilerParams(needs_layout_passes=False),
    scratch_types=[
        pltpu.VMEM((NUM_PATTERNS, NUM_EXPERTS), jnp.float32),
        pltpu.VMEM((LANES,), jnp.int32),
        pltpu.VMEM((BATCH, NUM_EXPERTS), jnp.float32),
    ],
)(_sc_bias_gather)


def _router_kernel(x_ref, w_ref, bias_ref, logits_ref, wts_ref, idx_ref):
    xt = x_ref[0]
    logits = lax.dot_general(
        xt, w_ref[...],
        dimension_numbers=(((1,), (1,)), ((), ())),
        preferred_element_type=jnp.float32,
    )
    logits = logits + bias_ref[0]
    logits_ref[0] = logits

    eids = lax.broadcasted_iota(jnp.int32, (TS, NUM_EXPERTS), 1)
    m1 = jnp.max(logits, axis=1)
    i1 = jnp.argmax(logits, axis=1).astype(jnp.int32)
    masked = jnp.where(eids == i1[:, None], -jnp.inf, logits)
    m2 = jnp.max(masked, axis=1)
    i2 = jnp.argmax(masked, axis=1).astype(jnp.int32)
    e = jnp.exp(m2 - m1)
    w1 = 1.0 / (1.0 + e)
    w2 = e / (1.0 + e)
    wts_ref[0] = jnp.stack([w1, w2], axis=-1)
    idx_ref[0] = jnp.stack([i1, i2], axis=-1)


@jax.jit
def kernel(x, pattern_ids, content_w, pattern_w):
    ids16 = jnp.zeros((LANES,), jnp.int32).at[:BATCH].set(
        pattern_ids.astype(jnp.int32))
    bias = _sc_bias_call(pattern_w, ids16)
    bias = bias.reshape(BATCH, 1, NUM_EXPERTS)

    grid = (BATCH, SEQ // TS)
    out_shapes = (
        jax.ShapeDtypeStruct((BATCH, SEQ, NUM_EXPERTS), jnp.float32),
        jax.ShapeDtypeStruct((BATCH, SEQ, TOP_K), jnp.float32),
        jax.ShapeDtypeStruct((BATCH, SEQ, TOP_K), jnp.int32),
    )
    logits, wts, idx = pl.pallas_call(
        _router_kernel,
        grid=grid,
        in_specs=[
            pl.BlockSpec((1, TS, DIM), lambda b, s: (b, s, 0)),
            pl.BlockSpec((NUM_EXPERTS, DIM), lambda b, s: (0, 0)),
            pl.BlockSpec((1, 1, NUM_EXPERTS), lambda b, s: (b, 0, 0)),
        ],
        out_specs=(
            pl.BlockSpec((1, TS, NUM_EXPERTS), lambda b, s: (b, s, 0)),
            pl.BlockSpec((1, TS, TOP_K), lambda b, s: (b, s, 0)),
            pl.BlockSpec((1, TS, TOP_K), lambda b, s: (b, s, 0)),
        ),
        out_shape=out_shapes,
    )(x, content_w, bias)
    return (wts, idx, logits)

# --- scband reference (transcript-rebuilt; emitter-appended) ---
"""Pipeline reference for scband-pattern-aware-mo-erouter-83846351553180 (READ-ONLY COPY).

The authoritative reference and input builder live on the scoring server;
editing this copy changes nothing except your own understanding.
"""

import jax, jax.numpy as jnp
import numpy as np

DIM = 2048
NUM_EXPERTS = 64
NUM_PATTERNS = 16
TOP_K = 2
BATCH = 4
SEQ = 2048


def setup_inputs(seed: int = 0) -> dict:
    key = jax.random.key(seed)
    k1, k2, k3, k4 = jax.random.split(key, 4)
    x = jax.random.normal(k1, (BATCH, SEQ, DIM), dtype=jnp.float32)
    pattern_ids = jax.random.randint(k2, (BATCH,), 0, NUM_PATTERNS, dtype=jnp.int64 if jax.config.jax_enable_x64 else jnp.int32)
    # content_routing weight: nn.Linear(dim, num_experts, bias=False) -> weight [num_experts, dim]
    content_w = jax.random.normal(k3, (NUM_EXPERTS, DIM), dtype=jnp.float32) * 0.01
    # pattern_routing parameter [num_patterns, num_experts]
    pattern_w = jax.random.normal(k4, (NUM_PATTERNS, NUM_EXPERTS), dtype=jnp.float32) * 0.1
    return {"x": x, "pattern_ids": pattern_ids, "content_w": content_w, "pattern_w": pattern_w}


def reference(x, pattern_ids, content_w, pattern_w):
    # content_logits = Linear(x): x @ W.T  -> [B, S, E]
    content_logits = jnp.einsum("bsd,ed->bse", x, content_w)
    # pattern bias: gather rows by pattern_ids -> [B, E], broadcast over seq
    pattern_bias = jnp.take(pattern_w, pattern_ids, axis=0)  # [B, E]
    pattern_bias = pattern_bias[:, None, :]  # [B, 1, E] broadcast to [B, S, E]
    router_logits = content_logits + pattern_bias
    expert_weights_raw, expert_indices = jax.lax.top_k(router_logits, TOP_K)
    expert_weights = jax.nn.softmax(expert_weights_raw, axis=-1)
    return (expert_weights, expert_indices, router_logits)


if False:  # reference __main__ guard neutralized (emitter)
    inp = setup_inputs()
    out = reference(**inp)
    for o in out:
        print(o.shape, o.dtype)

if __name__ == "__main__":
    import jax
    _d = setup_inputs()
    print(jax.jit(kernel)(*tuple(_d.values())))

</pallas_src>

<mosaic_0001>
#map = affine_map<(d0, d1) -> (0, 0)>
#map1 = affine_map<(d0, d1) -> (0)>
module attributes {stable_mosaic.version = 14 : i64} {
  func.func @_sc_bias_gather(%arg0: i32, %arg1: i32, %arg2: memref<16x64xf32, #tpu.memory_space<hbm>>, %arg3: memref<16xi32, #tpu.memory_space<hbm>>, %arg4: memref<4x64xf32, #tpu.memory_space<hbm>>, %arg5: memref<16x64xf32, #tpu.memory_space<vmem>>, %arg6: memref<16xi32, #tpu.memory_space<vmem>>, %arg7: memref<4x64xf32, #tpu.memory_space<vmem>>) attributes {dimension_semantics = [#tpu.dimension_semantics<core_parallel>, #tpu.dimension_semantics<subcore_parallel>], iteration_bounds = array<i64: 2, 16>, scalar_prefetch = 0 : i64, scratch_operands = 3 : i64, tpu.core_type = #tpu.core_type<sc_vector_subcore>, window_params = [{transform_indices = #map}, {transform_indices = #map1}, {transform_indices = #map}]} {
    %mul3A = arith.constant 2 : i32
    %mul3A_0 = arith.muli %arg1, %mul3A : i32
    %add3A = arith.addi %mul3A_0, %arg0 : i32
    %eq3A = arith.constant 0 : i32
    %eq3A_1 = arith.cmpi eq, %add3A, %eq3A : i32
    %convert_element_type3A = arith.extui %eq3A_1 : i1 to i32
    %cond3A = arith.constant 0 : i32
    %cond3A_2 = arith.cmpi ne, %convert_element_type3A, %cond3A : i32
    scf.if %cond3A_2 {
      "tpu.region"() ({
        %run_scoped3A = tpu.sem_alloc : memref<!tpu.dma_semaphore, #tpu.memory_space<semaphore_mem>>
        tpu.enqueue_dma source(%arg2 : memref<16x64xf32, #tpu.memory_space<hbm>>) target(%arg5 : memref<16x64xf32, #tpu.memory_space<vmem>>) target_semaphore(%run_scoped3A : memref<!tpu.dma_semaphore, #tpu.memory_space<semaphore_mem>>)
        tpu.wait_dma2 semaphore(%run_scoped3A : memref<!tpu.dma_semaphore, #tpu.memory_space<semaphore_mem>>) src(%arg2 : memref<16x64xf32, #tpu.memory_space<hbm>>) dst(%arg5 : memref<16x64xf32, #tpu.memory_space<vmem>>)
        tpu.yield
      }) : () -> ()
      "tpu.region"() ({
        %run_scoped3A = tpu.sem_alloc : memref<!tpu.dma_semaphore, #tpu.memory_space<semaphore_mem>>
        tpu.enqueue_dma source(%arg3 : memref<16xi32, #tpu.memory_space<hbm>>) target(%arg6 : memref<16xi32, #tpu.memory_space<vmem>>) target_semaphore(%run_scoped3A : memref<!tpu.dma_semaphore, #tpu.memory_space<semaphore_mem>>)
        tpu.wait_dma2 semaphore(%run_scoped3A : memref<!tpu.dma_semaphore, #tpu.memory_space<semaphore_mem>>) src(%arg3 : memref<16xi32, #tpu.memory_space<hbm>>) dst(%arg6 : memref<16xi32, #tpu.memory_space<vmem>>)
        tpu.yield
      }) : () -> ()
      %iota3A = tpu.iota {dimensions = array<i32: 0>} : vector<16xi32>
      %get3A = arith.constant 0 : index
      %get3A_3 = tpu.vector_load %arg6[%get3A] {strides = array<i32>} : memref<16xi32, #tpu.memory_space<vmem>>, vector<16xi32>,
      %eq3A_4 = arith.constant 0 : i32
      %eq3A_5 = vector.broadcast %eq3A_4 : i32 to vector<16xi32>
      %eq3A_6 = arith.cmpi eq, %iota3A, %eq3A_5 : vector<16xi32>
      %jit3A = arith.constant 0 : i32
      %broadcast_in_dim3A = vector.broadcast %jit3A : i32 to vector<16xi32>
      %select_n3A = arith.select %eq3A_6, %get3A_3, %broadcast_in_dim3A : vector<16xi1>, vector<16xi32>
      %reduce_max3A = arith.constant true
      %reduce_max3A_7 = vector.broadcast %reduce_max3A : i1 to vector<16xi1>
      %reduce_max3A_8 = arith.constant -2147483648 : i32
      %reduce_max3A_9 = vector.broadcast %reduce_max3A_8 : i32 to vector<16xi32>
      %reduce_max3A_10 = arith.xori %select_n3A, %reduce_max3A_9 : vector<16xi32>
      %reduce_max3A_11 = tpu.scan <max>, %reduce_max3A_10 masked %reduce_max3A_7 : vector<16xi32>, vector<16xi1> -> vector<16xi32>
      %reduce_max3A_12 = arith.xori %reduce_max3A_11, %reduce_max3A_9 : vector<16xi32>
      %reduce_max3A_13 = vector.extract %reduce_max3A_12[15] : i32 from vector<16xi32>
      %broadcast_in_dim3A_14 = vector.broadcast %reduce_max3A_13 : i32 to vector<16xi32>
      %add3A_15 = arith.constant 0 : i32
      %add3A_16 = vector.broadcast %add3A_15 : i32 to vector<16xi32>
      %add3A_17 = arith.addi %iota3A, %add3A_16 : vector<16xi32>
      %gather3A = tpu.vector_load_idx %arg5[%broadcast_in_dim3A_14, %add3A_17] : memref<16x64xf32, #tpu.memory_space<vmem>>[vector<16xi32>, vector<16xi32>], vector<16xf32>,
      %swap3A = arith.constant 0 : i32
      %swap3A_18 = arith.index_cast %swap3A : i32 to index
      %swap3A_19 = arith.constant 0 : index
      %swap3A_20 = tpu.vector_load %arg7[%swap3A_18, %swap3A_19] {strides = array<i32>} : memref<4x64xf32, #tpu.memory_space<vmem>>, vector<16xf32>,
      tpu.vector_store %arg7[%swap3A_18, %swap3A_19], %gather3A {strides = array<i32>} : memref<4x64xf32, #tpu.memory_space<vmem>>, vector<16xf32>,
      %add3A_21 = arith.constant 16 : i32
      %add3A_22 = vector.broadcast %add3A_21 : i32 to vector<16xi32>
      %add3A_23 = arith.addi %iota3A, %add3A_22 : vector<16xi32>
      %gather3A_24 = tpu.vector_load_idx %arg5[%broadcast_in_dim3A_14, %add3A_23] : memref<16x64xf32, #tpu.memory_space<vmem>>[vector<16xi32>, vector<16xi32>], vector<16xf32>,
      %swap3A_25 = arith.constant 0 : i32
      %swap3A_26 = arith.index_cast %swap3A_25 : i32 to index
      %swap3A_27 = arith.constant 16 : index
      %swap3A_28 = tpu.vector_load %arg7[%swap3A_26, %swap3A_27] {strides = array<i32>} : memref<4x64xf32, #tpu.memory_space<vmem>>, vector<16xf32>,
      tpu.vector_store %arg7[%swap3A_26, %swap3A_27], %gather3A_24 {strides = array<i32>} : memref<4x64xf32, #tpu.memory_space<vmem>>, vector<16xf32>,
      %add3A_29 = arith.constant 32 : i32
      %add3A_30 = vector.broadcast %add3A_29 : i32 to vector<16xi32>
      %add3A_31 = arith.addi %iota3A, %add3A_30 : vector<16xi32>
      %gather3A_32 = tpu.vector_load_idx %arg5[%broadcast_in_dim3A_14, %add3A_31] : memref<16x64xf32, #tpu.memory_space<vmem>>[vector<16xi32>, vector<16xi32>], vector<16xf32>,
      %swap3A_33 = arith.constant 0 : i32
      %swap3A_34 = arith.index_cast %swap3A_33 : i32 to index
      %swap3A_35 = arith.constant 32 : index
      %swap3A_36 = tpu.vector_load %arg7[%swap3A_34, %swap3A_35] {strides = array<i32>} : memref<4x64xf32, #tpu.memory_space<vmem>>, vector<16xf32>,
      tpu.vector_store %arg7[%swap3A_34, %swap3A_35], %gather3A_32 {strides = array<i32>} : memref<4x64xf32, #tpu.memory_space<vmem>>, vector<16xf32>,
      %add3A_37 = arith.constant 48 : i32
      %add3A_38 = vector.broadcast %add3A_37 : i32 to vector<16xi32>
      %add3A_39 = arith.addi %iota3A, %add3A_38 : vector<16xi32>
      %gather3A_40 = tpu.vector_load_idx %arg5[%broadcast_in_dim3A_14, %add3A_39] : memref<16x64xf32, #tpu.memory_space<vmem>>[vector<16xi32>, vector<16xi32>], vector<16xf32>,
      %swap3A_41 = arith.constant 0 : i32
      %swap3A_42 = arith.index_cast %swap3A_41 : i32 to index
      %swap3A_43 = arith.constant 48 : index
      %swap3A_44 = tpu.vector_load %arg7[%swap3A_42, %swap3A_43] {strides = array<i32>} : memref<4x64xf32, #tpu.memory_space<vmem>>, vector<16xf32>,
      tpu.vector_store %arg7[%swap3A_42, %swap3A_43], %gather3A_40 {strides = array<i32>} : memref<4x64xf32, #tpu.memory_space<vmem>>, vector<16xf32>,
      %eq3A_45 = arith.constant 1 : i32
      %eq3A_46 = vector.broadcast %eq3A_45 : i32 to vector<16xi32>
      %eq3A_47 = arith.cmpi eq, %iota3A, %eq3A_46 : vector<16xi32>
      %jit3A_48 = arith.constant 0 : i32
      %broadcast_in_dim3A_49 = vector.broadcast %jit3A_48 : i32 to vector<16xi32>
      %select_n3A_50 = arith.select %eq3A_47, %get3A_3, %broadcast_in_dim3A_49 : vector<16xi1>, vector<16xi32>
      %reduce_max3A_51 = arith.constant true
      %reduce_max3A_52 = vector.broadcast %reduce_max3A_51 : i1 to vector<16xi1>
      %reduce_max3A_53 = arith.constant -2147483648 : i32
      %reduce_max3A_54 = vector.broadcast %reduce_max3A_53 : i32 to vector<16xi32>
      %reduce_max3A_55 = arith.xori %select_n3A_50, %reduce_max3A_54 : vector<16xi32>
      %reduce_max3A_56 = tpu.scan <max>, %reduce_max3A_55 masked %reduce_max3A_52 : vector<16xi32>, vector<16xi1> -> vector<16xi32>
      %reduce_max3A_57 = arith.xori %reduce_max3A_56, %reduce_max3A_54 : vector<16xi32>
      %reduce_max3A_58 = vector.extract %reduce_max3A_57[15] : i32 from vector<16xi32>
      %broadcast_in_dim3A_59 = vector.broadcast %reduce_max3A_58 : i32 to vector<16xi32>
      %add3A_60 = arith.constant 0 : i32
      %add3A_61 = vector.broadcast %add3A_60 : i32 to vector<16xi32>
      %add3A_62 = arith.addi %iota3A, %add3A_61 : vector<16xi32>
      %gather3A_63 = tpu.vector_load_idx %arg5[%broadcast_in_dim3A_59, %add3A_62] : memref<16x64xf32, #tpu.memory_space<vmem>>[vector<16xi32>, vector<16xi32>], vector<16xf32>,
      %swap3A_64 = arith.constant 1 : i32
      %swap3A_65 = arith.index_cast %swap3A_64 : i32 to index
      %swap3A_66 = arith.constant 0 : index
      %swap3A_67 = tpu.vector_load %arg7[%swap3A_65, %swap3A_66] {strides = array<i32>} : memref<4x64xf32, #tpu.memory_space<vmem>>, vector<16xf32>,
      tpu.vector_store %arg7[%swap3A_65, %swap3A_66], %gather3A_63 {strides = array<i32>} : memref<4x64xf32, #tpu.memory_space<vmem>>, vector<16xf32>,
      %add3A_68 = arith.constant 16 : i32
      %add3A_69 = vector.broadcast %add3A_68 : i32 to vector<16xi32>
      %add3A_70 = arith.addi %iota3A, %add3A_69 : vector<16xi32>
      %gather3A_71 = tpu.vector_load_idx %arg5[%broadcast_in_dim3A_59, %add3A_70] : memref<16x64xf32, #tpu.memory_space<vmem>>[vector<16xi32>, vector<16xi32>], vector<16xf32>,
      %swap3A_72 = arith.constant 1 : i32
      %swap3A_73 = arith.index_cast %swap3A_72 : i32 to index
      %swap3A_74 = arith.constant 16 : index
      %swap3A_75 = tpu.vector_load %arg7[%swap3A_73, %swap3A_74] {strides = array<i32>} : memref<4x64xf32, #tpu.memory_space<vmem>>, vector<16xf32>,
      tpu.vector_store %arg7[%swap3A_73, %swap3A_74], %gather3A_71 {strides = array<i32>} : memref<4x64xf32, #tpu.memory_space<vmem>>, vector<16xf32>,
      %add3A_76 = arith.constant 32 : i32
      %add3A_77 = vector.broadcast %add3A_76 : i32 to vector<16xi32>
      %add3A_78 = arith.addi %iota3A, %add3A_77 : vector<16xi32>
      %gather3A_79 = tpu.vector_load_idx %arg5[%broadcast_in_dim3A_59, %add3A_78] : memref<16x64xf32, #tpu.memory_space<vmem>>[vector<16xi32>, vector<16xi32>], vector<16xf32>,
      %swap3A_80 = arith.constant 1 : i32
      %swap3A_81 = arith.index_cast %swap3A_80 : i32 to index
      %swap3A_82 = arith.constant 32 : index
      %swap3A_83 = tpu.vector_load %arg7[%swap3A_81, %swap3A_82] {strides = array<i32>} : memref<4x64xf32, #tpu.memory_space<vmem>>, vector<16xf32>,
      tpu.vector_store %arg7[%swap3A_81, %swap3A_82], %gather3A_79 {strides = array<i32>} : memref<4x64xf32, #tpu.memory_space<vmem>>, vector<16xf32>,
      %add3A_84 = arith.constant 48 : i32
      %add3A_85 = vector.broadcast %add3A_84 : i32 to vector<16xi32>
      %add3A_86 = arith.addi %iota3A, %add3A_85 : vector<16xi32>
      %gather3A_87 = tpu.vector_load_idx %arg5[%broadcast_in_dim3A_59, %add3A_86] : memref<16x64xf32, #tpu.memory_space<vmem>>[vector<16xi32>, vector<16xi32>], vector<16xf32>,
      %swap3A_88 = arith.constant 1 : i32
      %swap3A_89 = arith.index_cast %swap3A_88 : i32 to index
      %swap3A_90 = arith.constant 48 : index
      %swap3A_91 = tpu.vector_load %arg7[%swap3A_89, %swap3A_90] {strides = array<i32>} : memref<4x64xf32, #tpu.memory_space<vmem>>, vector<16xf32>,
      tpu.vector_store %arg7[%swap3A_89, %swap3A_90], %gather3A_87 {strides = array<i32>} : memref<4x64xf32, #tpu.memory_space<vmem>>, vector<16xf32>,
      %eq3A_92 = arith.constant 2 : i32
      %eq3A_93 = vector.broadcast %eq3A_92 : i32 to vector<16xi32>
      %eq3A_94 = arith.cmpi eq, %iota3A, %eq3A_93 : vector<16xi32>
      %jit3A_95 = arith.constant 0 : i32
      %broadcast_in_dim3A_96 = vector.broadcast %jit3A_95 : i32 to vector<16xi32>
      %select_n3A_97 = arith.select %eq3A_94, %get3A_3, %broadcast_in_dim3A_96 : vector<16xi1>, vector<16xi32>
      %reduce_max3A_98 = arith.constant true
      %reduce_max3A_99 = vector.broadcast %reduce_max3A_98 : i1 to vector<16xi1>
      %reduce_max3A_100 = arith.constant -2147483648 : i32
      %reduce_max3A_101 = vector.broadcast %reduce_max3A_100 : i32 to vector<16xi32>
      %reduce_max3A_102 = arith.xori %select_n3A_97, %reduce_max3A_101 : vector<16xi32>
      %reduce_max3A_103 = tpu.scan <max>, %reduce_max3A_102 masked %reduce_max3A_99 : vector<16xi32>, vector<16xi1> -> vector<16xi32>
      %reduce_max3A_104 = arith.xori %reduce_max3A_103, %reduce_max3A_101 : vector<16xi32>
      %reduce_max3A_105 = vector.extract %reduce_max3A_104[15] : i32 from vector<16xi32>
      %broadcast_in_dim3A_106 = vector.broadcast %reduce_max3A_105 : i32 to vector<16xi32>
      %add3A_107 = arith.constant 0 : i32
      %add3A_108 = vector.broadcast %add3A_107 : i32 to vector<16xi32>
      %add3A_109 = arith.addi %iota3A, %add3A_108 : vector<16xi32>
      %gather3A_110 = tpu.vector_load_idx %arg5[%broadcast_in_dim3A_106, %add3A_109] : memref<16x64xf32, #tpu.memory_space<vmem>>[vector<16xi32>, vector<16xi32>], vector<16xf32>,
      %swap3A_111 = arith.constant 2 : i32
      %swap3A_112 = arith.index_cast %swap3A_111 : i32 to index
      %swap3A_113 = arith.constant 0 : index
      %swap3A_114 = tpu.vector_load %arg7[%swap3A_112, %swap3A_113] {strides = array<i32>} : memref<4x64xf32, #tpu.memory_space<vmem>>, vector<16xf32>,
      tpu.vector_store %arg7[%swap3A_112, %swap3A_113], %gather3A_110 {strides = array<i32>} : memref<4x64xf32, #tpu.memory_space<vmem>>, vector<16xf32>,
      %add3A_115 = arith.constant 16 : i32
      %add3A_116 = vector.broadcast %add3A_115 : i32 to vector<16xi32>
      %add3A_117 = arith.addi %iota3A, %add3A_116 : vector<16xi32>
      %gather3A_118 = tpu.vector_load_idx %arg5[%broadcast_in_dim3A_106, %add3A_117] : memref<16x64xf32, #tpu.memory_space<vmem>>[vector<16xi32>, vector<16xi32>], vector<16xf32>,
      %swap3A_119 = arith.constant 2 : i32
      %swap3A_120 = arith.index_cast %swap3A_119 : i32 to index
      %swap3A_121 = arith.constant 16 : index
      %swap3A_122 = tpu.vector_load %arg7[%swap3A_120, %swap3A_121] {strides = array<i32>} : memref<4x64xf32, #tpu.memory_space<vmem>>, vector<16xf32>,
      tpu.vector_store %arg7[%swap3A_120, %swap3A_121], %gather3A_118 {strides = array<i32>} : memref<4x64xf32, #tpu.memory_space<vmem>>, vector<16xf32>,
      %add3A_123 = arith.constant 32 : i32
      %add3A_124 = vector.broadcast %add3A_123 : i32 to vector<16xi32>
      %add3A_125 = arith.addi %iota3A, %add3A_124 : vector<16xi32>
      %gather3A_126 = tpu.vector_load_idx %arg5[%broadcast_in_dim3A_106, %add3A_125] : memref<16x64xf32, #tpu.memory_space<vmem>>[vector<16xi32>, vector<16xi32>], vector<16xf32>,
      %swap3A_127 = arith.constant 2 : i32
      %swap3A_128 = arith.index_cast %swap3A_127 : i32 to index
      %swap3A_129 = arith.constant 32 : index
      %swap3A_130 = tpu.vector_load %arg7[%swap3A_128, %swap3A_129] {strides = array<i32>} : memref<4x64xf32, #tpu.memory_space<vmem>>, vector<16xf32>,
      tpu.vector_store %arg7[%swap3A_128, %swap3A_129], %gather3A_126 {strides = array<i32>} : memref<4x64xf32, #tpu.memory_space<vmem>>, vector<16xf32>,
      %add3A_131 = arith.constant 48 : i32
      %add3A_132 = vector.broadcast %add3A_131 : i32 to vector<16xi32>
      %add3A_133 = arith.addi %iota3A, %add3A_132 : vector<16xi32>
      %gather3A_134 = tpu.vector_load_idx %arg5[%broadcast_in_dim3A_106, %add3A_133] : memref<16x64xf32, #tpu.memory_space<vmem>>[vector<16xi32>, vector<16xi32>], vector<16xf32>,
      %swap3A_135 = arith.constant 2 : i32
      %swap3A_136 = arith.index_cast %swap3A_135 : i32 to index
      %swap3A_137 = arith.constant 48 : index
      %swap3A_138 = tpu.vector_load %arg7[%swap3A_136, %swap3A_137] {strides = array<i32>} : memref<4x64xf32, #tpu.memory_space<vmem>>, vector<16xf32>,
      tpu.vector_store %arg7[%swap3A_136, %swap3A_137], %gather3A_134 {strides = array<i32>} : memref<4x64xf32, #tpu.memory_space<vmem>>, vector<16xf32>,
      %eq3A_139 = arith.constant 3 : i32
      %eq3A_140 = vector.broadcast %eq3A_139 : i32 to vector<16xi32>
      %eq3A_141 = arith.cmpi eq, %iota3A, %eq3A_140 : vector<16xi32>
      %jit3A_142 = arith.constant 0 : i32
      %broadcast_in_dim3A_143 = vector.broadcast %jit3A_142 : i32 to vector<16xi32>
      %select_n3A_144 = arith.select %eq3A_141, %get3A_3, %broadcast_in_dim3A_143 : vector<16xi1>, vector<16xi32>
      %reduce_max3A_145 = arith.constant true
      %reduce_max3A_146 = vector.broadcast %reduce_max3A_145 : i1 to vector<16xi1>
      %reduce_max3A_147 = arith.constant -2147483648 : i32
      %reduce_max3A_148 = vector.broadcast %reduce_max3A_147 : i32 to vector<16xi32>
      %reduce_max3A_149 = arith.xori %select_n3A_144, %reduce_max3A_148 : vector<16xi32>
      %reduce_max3A_150 = tpu.scan <max>, %reduce_max3A_149 masked %reduce_max3A_146 : vector<16xi32>, vector<16xi1> -> vector<16xi32>
      %reduce_max3A_151 = arith.xori %reduce_max3A_150, %reduce_max3A_148 : vector<16xi32>
      %reduce_max3A_152 = vector.extract %reduce_max3A_151[15] : i32 from vector<16xi32>
      %broadcast_in_dim3A_153 = vector.broadcast %reduce_max3A_152 : i32 to vector<16xi32>
      %add3A_154 = arith.constant 0 : i32
      %add3A_155 = vector.broadcast %add3A_154 : i32 to vector<16xi32>
      %add3A_156 = arith.addi %iota3A, %add3A_155 : vector<16xi32>
      %gather3A_157 = tpu.vector_load_idx %arg5[%broadcast_in_dim3A_153, %add3A_156] : memref<16x64xf32, #tpu.memory_space<vmem>>[vector<16xi32>, vector<16xi32>], vector<16xf32>,
      %swap3A_158 = arith.constant 3 : i32
      %swap3A_159 = arith.index_cast %swap3A_158 : i32 to index
      %swap3A_160 = arith.constant 0 : index
      %swap3A_161 = tpu.vector_load %arg7[%swap3A_159, %swap3A_160] {strides = array<i32>} : memref<4x64xf32, #tpu.memory_space<vmem>>, vector<16xf32>,
      tpu.vector_store %arg7[%swap3A_159, %swap3A_160], %gather3A_157 {strides = array<i32>} : memref<4x64xf32, #tpu.memory_space<vmem>>, vector<16xf32>,
      %add3A_162 = arith.constant 16 : i32
      %add3A_163 = vector.broadcast %add3A_162 : i32 to vector<16xi32>
      %add3A_164 = arith.addi %iota3A, %add3A_163 : vector<16xi32>
      %gather3A_165 = tpu.vector_load_idx %arg5[%broadcast_in_dim3A_153, %add3A_164] : memref<16x64xf32, #tpu.memory_space<vmem>>[vector<16xi32>, vector<16xi32>], vector<16xf32>,
      %swap3A_166 = arith.constant 3 : i32
      %swap3A_167 = arith.index_cast %swap3A_166 : i32 to index
      %swap3A_168 = arith.constant 16 : index
      %swap3A_169 = tpu.vector_load %arg7[%swap3A_167, %swap3A_168] {strides = array<i32>} : memref<4x64xf32, #tpu.memory_space<vmem>>, vector<16xf32>,
      tpu.vector_store %arg7[%swap3A_167, %swap3A_168], %gather3A_165 {strides = array<i32>} : memref<4x64xf32, #tpu.memory_space<vmem>>, vector<16xf32>,
      %add3A_170 = arith.constant 32 : i32
      %add3A_171 = vector.broadcast %add3A_170 : i32 to vector<16xi32>
      %add3A_172 = arith.addi %iota3A, %add3A_171 : vector<16xi32>
      %gather3A_173 = tpu.vector_load_idx %arg5[%broadcast_in_dim3A_153, %add3A_172] : memref<16x64xf32, #tpu.memory_space<vmem>>[vector<16xi32>, vector<16xi32>], vector<16xf32>,
      %swap3A_174 = arith.constant 3 : i32
      %swap3A_175 = arith.index_cast %swap3A_174 : i32 to index
      %swap3A_176 = arith.constant 32 : index
      %swap3A_177 = tpu.vector_load %arg7[%swap3A_175, %swap3A_176] {strides = array<i32>} : memref<4x64xf32, #tpu.memory_space<vmem>>, vector<16xf32>,
      tpu.vector_store %arg7[%swap3A_175, %swap3A_176], %gather3A_173 {strides = array<i32>} : memref<4x64xf32, #tpu.memory_space<vmem>>, vector<16xf32>,
      %add3A_178 = arith.constant 48 : i32
      %add3A_179 = vector.broadcast %add3A_178 : i32 to vector<16xi32>
      %add3A_180 = arith.addi %iota3A, %add3A_179 : vector<16xi32>
      %gather3A_181 = tpu.vector_load_idx %arg5[%broadcast_in_dim3A_153, %add3A_180] : memref<16x64xf32, #tpu.memory_space<vmem>>[vector<16xi32>, vector<16xi32>], vector<16xf32>,
      %swap3A_182 = arith.constant 3 : i32
      %swap3A_183 = arith.index_cast %swap3A_182 : i32 to index
      %swap3A_184 = arith.constant 48 : index
      %swap3A_185 = tpu.vector_load %arg7[%swap3A_183, %swap3A_184] {strides = array<i32>} : memref<4x64xf32, #tpu.memory_space<vmem>>, vector<16xf32>,
      tpu.vector_store %arg7[%swap3A_183, %swap3A_184], %gather3A_181 {strides = array<i32>} : memref<4x64xf32, #tpu.memory_space<vmem>>, vector<16xf32>,
      "tpu.region"() ({
        %run_scoped3A = tpu.sem_alloc : memref<!tpu.dma_semaphore, #tpu.memory_space<semaphore_mem>>
        tpu.enqueue_dma source(%arg7 : memref<4x64xf32, #tpu.memory_space<vmem>>) target(%arg4 : memref<4x64xf32, #tpu.memory_space<hbm>>) target_semaphore(%run_scoped3A : memref<!tpu.dma_semaphore, #tpu.memory_space<semaphore_mem>>)
        tpu.wait_dma2 semaphore(%run_scoped3A : memref<!tpu.dma_semaphore, #tpu.memory_space<semaphore_mem>>) src(%arg7 : memref<4x64xf32, #tpu.memory_space<vmem>>) dst(%arg4 : memref<4x64xf32, #tpu.memory_space<hbm>>)
        tpu.yield
      }) : () -> ()
    } else {
    }
    return
  }
}

module attributes {stable_mosaic.version = 14 : i64} {
  func.func @_router_kernel(%arg0: i32, %arg1: i32, %arg2: memref<1x1024x2048xf32, #tpu.memory_space<vmem>>, %arg3: memref<64x2048xf32, #tpu.memory_space<vmem>>, %arg4: memref<1x1x64xf32, #tpu.memory_space<vmem>>, %arg5: memref<1x1024x64xf32, #tpu.memory_space<vmem>>, %arg6: memref<1x1024x2xf32, #tpu.memory_space<vmem>>, %arg7: memref<1x1024x2xi32, #tpu.memory_space<vmem>>) attributes {dimension_semantics = [#tpu.dimension_semantics<arbitrary>, #tpu.dimension_semantics<arbitrary>], iteration_bounds = array<i64: 4, 2>, scalar_prefetch = 0 : i64, scratch_operands = 0 : i64, tpu.core_type = #tpu.core_type<tc>, window_params = [{transform_indices = @transform_0, window_bounds = array<i64: 1, 1024, 2048>}, {pipeline_mode = #tpu.pipeline_mode<synchronous>, transform_indices = @transform_1, window_bounds = array<i64: 64, 2048>}, {transform_indices = @transform_2, window_bounds = array<i64: 1, 1, 64>}, {transform_indices = @transform_3, window_bounds = array<i64: 1, 1024, 64>}, {transform_indices = @transform_4, window_bounds = array<i64: 1, 1024, 2>}, {transform_indices = @transform_5, window_bounds = array<i64: 1, 1024, 2>}]} {
    %get3A = arith.constant 0 : index
    %get3A_0 = arith.constant 0 : index
    %get3A_1 = arith.constant 0 : index
    %get3A_2 = vector.load %arg2[%get3A, %get3A_0, %get3A_1] : memref<1x1024x2048xf32, #tpu.memory_space<vmem>>, vector<1x1024x2048xf32>
    %get3A_3 = vector.shape_cast %get3A_2 : vector<1x1024x2048xf32> to vector<1024x2048xf32>
    %get3A_4 = arith.constant 0 : index
    %get3A_5 = arith.constant 0 : index
    %get3A_6 = vector.load %arg3[%get3A_4, %get3A_5] : memref<64x2048xf32, #tpu.memory_space<vmem>>, vector<64x2048xf32>
    %dot_general3A = arith.constant dense<0.000000e+00> : vector<1024x64xf32>
    %dot_general3A_7 = tpu.matmul %get3A_3, %get3A_6, %dot_general3A {dimension_numbers = #tpu.dot_dimension_numbers<[1], [1], [0], [0], [0, 0, 1, 0], [], []>, transpose_lhs_hint = false} : vector<1024x2048xf32>, vector<64x2048xf32>, vector<1024x64xf32> -> vector<1024x64xf32>
    %get3A_8 = arith.constant 0 : index
    %get3A_9 = arith.constant 0 : index
    %get3A_10 = arith.constant 0 : index
    %get3A_11 = vector.load %arg4[%get3A_8, %get3A_9, %get3A_10] : memref<1x1x64xf32, #tpu.memory_space<vmem>>, vector<1x1x64xf32>
    %get3A_12 = vector.shape_cast %get3A_11 : vector<1x1x64xf32> to vector<1x64xf32>
    %add3A = vector.broadcast %get3A_12 : vector<1x64xf32> to vector<1024x64xf32>
    %add3A_13 = arith.addf %dot_general3A_7, %add3A : vector<1024x64xf32>
    %swap3A = arith.constant 0 : index
    %swap3A_14 = arith.constant 0 : index
    %swap3A_15 = arith.constant 0 : index
    %swap3A_16 = vector.load %arg5[%swap3A, %swap3A_14, %swap3A_15] : memref<1x1024x64xf32, #tpu.memory_space<vmem>>, vector<1x1024x64xf32>
    %swap3A_17 = vector.shape_cast %swap3A_16 : vector<1x1024x64xf32> to vector<1024x64xf32>
    %swap3A_18 = vector.shape_cast %add3A_13 : vector<1024x64xf32> to vector<1x1024x64xf32>
    tpu.vector_store %arg5[%swap3A, %swap3A_14, %swap3A_15], %swap3A_18 {strides = array<i32>} : memref<1x1024x64xf32, #tpu.memory_space<vmem>>, vector<1x1024x64xf32>,
    %iota3A = tpu.iota {dimensions = array<i32: 1>} : vector<1024x64xi32>
    %reduce_max3A = arith.constant dense<0xFF800000> : vector<1024xf32>
    %reduce_max3A_19 = vector.multi_reduction <maximumf>, %add3A_13, %reduce_max3A [1] : vector<1024x64xf32> to vector<1024xf32>
    %argmax3A = tpu.reduce_index %add3A_13 {axis = 1 : i32, kind = #tpu.reduction_kind<arg_max>} : vector<1024x64xf32> -> vector<1024xi32>
    %broadcast_in_dim3A = vector.shape_cast %argmax3A : vector<1024xi32> to vector<1024x1xi32>
    %eq3A = vector.broadcast %broadcast_in_dim3A : vector<1024x1xi32> to vector<1024x64xi32>
    %eq3A_20 = arith.cmpi eq, %iota3A, %eq3A : vector<1024x64xi32>
    %jit3A = arith.constant 0xFF800000 : f32
    %broadcast_in_dim3A_21 = vector.broadcast %jit3A : f32 to vector<1024x64xf32>
    %select_n3A = arith.select %eq3A_20, %broadcast_in_dim3A_21, %add3A_13 : vector<1024x64xi1>, vector<1024x64xf32>
    %reduce_max3A_22 = arith.constant dense<0xFF800000> : vector<1024xf32>
    %reduce_max3A_23 = vector.multi_reduction <maximumf>, %select_n3A, %reduce_max3A_22 [1] : vector<1024x64xf32> to vector<1024xf32>
    %argmax3A_24 = tpu.reduce_index %select_n3A {axis = 1 : i32, kind = #tpu.reduction_kind<arg_max>} : vector<1024x64xf32> -> vector<1024xi32>
    %sub3A = arith.subf %reduce_max3A_23, %reduce_max3A_19 : vector<1024xf32>
    %exp3A = math.exp %sub3A : vector<1024xf32>
    %add3A_25 = arith.constant 1.000000e+00 : f32
    %add3A_26 = vector.broadcast %add3A_25 : f32 to vector<1024xf32>
    %add3A_27 = arith.addf %add3A_26, %exp3A : vector<1024xf32>
    %div3A = arith.constant 1.000000e+00 : f32
    %div3A_28 = vector.broadcast %div3A : f32 to vector<1024xf32>
    %div3A_29 = arith.divf %div3A_28, %add3A_27 : vector<1024xf32>
    %add3A_30 = arith.constant 1.000000e+00 : f32
    %add3A_31 = vector.broadcast %add3A_30 : f32 to vector<1024xf32>
    %add3A_32 = arith.addf %add3A_31, %exp3A : vector<1024xf32>
    %div3A_33 = arith.divf %exp3A, %add3A_32 : vector<1024xf32>
    %stack3A = vector.shape_cast %div3A_29 : vector<1024xf32> to vector<1024x1xf32>
    %stack3A_34 = vector.shape_cast %div3A_33 : vector<1024xf32> to vector<1024x1xf32>
    %stack3A_35 = tpu.concatenate %stack3A, %stack3A_34 in 1 : vector<1024x1xf32>, vector<1024x1xf32> -> vector<1024x2xf32>
    %swap3A_36 = arith.constant 0 : index
    %swap3A_37 = arith.constant 0 : index
    %swap3A_38 = arith.constant 0 : index
    %swap3A_39 = vector.load %arg6[%swap3A_36, %swap3A_37, %swap3A_38] : memref<1x1024x2xf32, #tpu.memory_space<vmem>>, vector<1x1024x2xf32>
    %swap3A_40 = vector.shape_cast %swap3A_39 : vector<1x1024x2xf32> to vector<1024x2xf32>
    %swap3A_41 = vector.shape_cast %stack3A_35 : vector<1024x2xf32> to vector<1x1024x2xf32>
    tpu.vector_store %arg6[%swap3A_36, %swap3A_37, %swap3A_38], %swap3A_41 {strides = array<i32>} : memref<1x1024x2xf32, #tpu.memory_space<vmem>>, vector<1x1024x2xf32>,
    %stack3A_42 = vector.shape_cast %argmax3A : vector<1024xi32> to vector<1024x1xi32>
    %stack3A_43 = vector.shape_cast %argmax3A_24 : vector<1024xi32> to vector<1024x1xi32>
    %stack3A_44 = tpu.concatenate %stack3A_42, %stack3A_43 in 1 : vector<1024x1xi32>, vector<1024x1xi32> -> vector<1024x2xi32>
    %swap3A_45 = arith.constant 0 : index
    %swap3A_46 = arith.constant 0 : index
    %swap3A_47 = arith.constant 0 : index
    %swap3A_48 = vector.load %arg7[%swap3A_45, %swap3A_46, %swap3A_47] : memref<1x1024x2xi32, #tpu.memory_space<vmem>>, vector<1x1024x2xi32>
    %swap3A_49 = vector.shape_cast %swap3A_48 : vector<1x1024x2xi32> to vector<1024x2xi32>
    %swap3A_50 = vector.shape_cast %stack3A_44 : vector<1024x2xi32> to vector<1x1024x2xi32>
    tpu.vector_store %arg7[%swap3A_45, %swap3A_46, %swap3A_47], %swap3A_50 {strides = array<i32>} : memref<1x1024x2xi32, #tpu.memory_space<vmem>>, vector<1x1024x2xi32>,
    return
  }
  func.func @transform_0(%arg0: i32, %arg1: i32) -> (i32, i32, i32) {
    %c0_i32 = arith.constant 0 : i32
    %c0_i32_0 = arith.constant 0 : i32
    return %arg0, %arg1, %c0_i32 : i32, i32, i32
  }
  func.func @transform_1(%arg0: i32, %arg1: i32) -> (i32, i32) {
    %c0_i32 = arith.constant 0 : i32
    %c0_i32_0 = arith.constant 0 : i32
    %c0_i32_1 = arith.constant 0 : i32
    return %c0_i32, %c0_i32_0 : i32, i32
  }
  func.func @transform_2(%arg0: i32, %arg1: i32) -> (i32, i32, i32) {
    %c0_i32 = arith.constant 0 : i32
    %c0_i32_0 = arith.constant 0 : i32
    %c0_i32_1 = arith.constant 0 : i32
    return %arg0, %c0_i32, %c0_i32_0 : i32, i32, i32
  }
  func.func @transform_3(%arg0: i32, %arg1: i32) -> (i32, i32, i32) {
    %c0_i32 = arith.constant 0 : i32
    %c0_i32_0 = arith.constant 0 : i32
    return %arg0, %arg1, %c0_i32 : i32, i32, i32
  }
  func.func @transform_4(%arg0: i32, %arg1: i32) -> (i32, i32, i32) {
    %c0_i32 = arith.constant 0 : i32
    %c0_i32_0 = arith.constant 0 : i32
    return %arg0, %arg1, %c0_i32 : i32, i32, i32
  }
  func.func @transform_5(%arg0: i32, %arg1: i32) -> (i32, i32, i32) {
    %c0_i32 = arith.constant 0 : i32
    %c0_i32_0 = arith.constant 0 : i32
    return %arg0, %arg1, %c0_i32 : i32, i32, i32
  }
}

</mosaic_0001>

<sc_bundles>
// kernel: kernel.4.cloned.1.call-start
scs
__scs_entry_jumppad:
0x0: {  	(pc) =	sbr.rel $0x88, $3  }
0x1: {  	(tag) =	ssettag $0x0;
	lr =	simm.s32 $0x1  }
0x2: {  	[smem:$0x3F9D] =	sst lr;
	_ =	strace $0xD0000000  }
0x3: {  	_ = 	snop  }
0x4: {  	_ = 	snop  }
0x5: {  	_ = 	snop  }
0x6: {  	_ = 	snop  }
0x7: {  	_ = 	snop  }
__scs_overlays_trampoline_lowered:
0x8: {  	[smem:$0x3FAC] =	sst s0  }
0x9: {  	[smem:$0x3FAD] =	sst s1  }
0xa: {  	[smem:$0x3FAE] =	sst s2  }
0xb: {  	[smem:$0x3FAF] =	sst s3  }
0xc: {  	[smem:$0x3FB0] =	sst s4  }
0xd: {  	[smem:$0x3FB1] =	sst s5  }
0xe: {  	[smem:$0x3FB2] =	sst s6  }
0xf: {  	[smem:$0x3FB3] =	sst s7  }
0x10: {  	[smem:$0x3FB4] =	sst s8  }
0x11: {  	[smem:$0x3FB5] =	sst s9;
	s0 =	simm.s32 @!p0 $0x0  }
0x12: {  	s1 =	sld [smem:$0x3F9B];
	s0 =	simm.s32 @p0 $0x1  }
0x13: {  	[smem:$0x3FB6] =	sst s0;
	s0 =	simm.s32 @!p1 $0x0  }
0x14: {  	s2 =	sld [smem:$0x3F9A];
	s0 =	simm.s32 @p1 $0x1  }
0x15: {  	[smem:$0x3FB7] =	sst s0;
	s0 =	simm.s32 @!p2 $0x0  }
0x16: {  	s3 =	sld [smem:$0x3FDB];
	s0 =	simm.s32 @p2 $0x1  }
0x17: {  	s4 =	simm.s32 $0x1BF5;
	[smem:$0x3FB9] =	sst s0  }
0x18: {  	s0 =	sld [smem:$0x3F9C];
	_ =	swait.ge [sflag:s4], $0x0  }
0x19: {  	s7 =	sld [smem:$0x3F9D]  }
0x1a: {  	s8 =	sadd.s32 $0xFFFFE003, lr  }
0x1b: {  	s9 =	sadd.s32 $0xFFFFFEF7, lr;
	s5 =	simm.s32 $0xFFFFFFFF;
	p2 =	slt.u32 s8, $0xFFFFF086  }
0x1c: {  	p1 =	slt.u32 s9, $0xF7A;
	s5 =	simm.s32 @!p2 $0x0  }
0x1d: {  	s5 =	simm.s32 @p1 $0x1;
	p0 =	seq.s32 s7, s2  }
0x1e: {  	s7 =	smul.u32 @!p0 $0xF7A, s2;
	p2 =	seq.s32 @!p0 s5, $0x0  }
0x1f: {  	s9 =	smul.u32 $0xF7A, s1;
	s8 =	simm.s32 @!p0 $0x1BF5;
	p2 =	por !p2, p0  }
0x20: {  	[sflag:s8] =	ssyncset.s32 @!p0 $0xFFFFF086;
	s6 =	sadd.s32 @!p0 s3, s7;
	s7 =	simm.s32 @!p0 $0x108  }
0x21: {  	s3 =	sadd.s32 s3, s9;
	s6 =	sadd.s32 @!p0 $0x88, s6;
	s7 =	simm.s32 @p2 $0x1082  }
0x22: {  	[simem:s7], [sflag:s8] =	dma.local @!p0 [hbm:s6], $0xF7A  }
0x23: {  	s9 =	sor.u32 $0xD0000000, s2;
	s6 =	simm.s32 $0x108;
	_ =	swait.ge @!p0 [sflag:s8], $0x0  }
0x24: {  	s3 =	sadd.s32 $0x88, s3;
	s6 =	simm.s32 @!p1 $0x1082;
	[sflag:s4] =	ssyncset.s32 $0xFFFFF086  }
0x25: {  	[simem:s6], [sflag:s4] =	dma.local [hbm:s3], $0xF7A  }
0x26: {  	[smem:$0x3F9D] =	sst s1;
	(tag) =	ssettag s2;
	_ =	strace s9  }
0x27: {  	s1 =	sld [smem:$0x3FAD]  }
0x28: {  	s2 =	sld [smem:$0x3FAE]  }
0x29: {  	s4 =	sld [smem:$0x3FB0]  }
0x2a: {  	p0 =	seq.s32 s5, $0x0;
	s5 =	sld [smem:$0x3FB1]  }
0x2b: {  	s6 =	sld [smem:$0x3FB2]  }
0x2c: {  	s7 =	sld [smem:$0x3FB3]  }
0x2d: {  	s3 =	simm.s32 $0x108;
	s8 =	sld [smem:$0x3FB4]  }
0x2e: {  	s3 =	simm.s32 @!p0 $0x1082;
	s9 =	sld [smem:$0x3FB5]  }
0x2f: {  	lr =	sadd.s32 s0, s3;
	s0 =	sld [smem:$0x3FAC]  }
0x30: {  	s3 =	sld [smem:$0x3FAF]  }
0x31: {  	[smem:$0x3FB8] =	sst s10  }
0x32: {  	s10 =	sld [smem:$0x3FB6];
	_ =	sdelay $0x3  }
0x33: {  	p0 =	seq.s32 s10, $0x1;
	s10 =	sld [smem:$0x3FB8];
	_ =	sdelay $0x3  }
0x34: {  	[smem:$0x3FB8] =	sst s10  }
0x35: {  	s10 =	sld [smem:$0x3FB7];
	_ =	sdelay $0x3  }
0x36: {  	p1 =	seq.s32 s10, $0x1;
	s10 =	sld [smem:$0x3FB8];
	_ =	sdelay $0x3  }
0x37: {  	[smem:$0x3FB8] =	sst s10  }
0x38: {  	s10 =	sld [smem:$0x3FB9]  }
0x39: {  	_ = 	snop;
	(pc) =	sbr.ind lr, $3  }
0x3a: {  	_ = 	snop  }
0x3b: {  	_ = 	snop  }
0x3c: {  	p2 =	seq.s32 s10, $0x1;
	s10 =	sld [smem:$0x3FB8]  }
0x3d: {  	_ =	shalt  }
0x3e: {  	_ =	shalt  }
0x3f: {  	_ =	shalt  }
0x40: {  	_ =	shalt  }
0x41: {  	_ =	shalt  }
0x42: {  	_ =	shalt  }
0x43: {  	_ =	shalt  }
0x44: {  	_ =	shalt  }
0x45: {  	_ =	shalt  }
0x46: {  	_ =	shalt  }
0x47: {  	_ =	shalt  }
0x48: {  	_ =	shalt  }
0x49: {  	_ =	shalt  }
0x4a: {  	_ =	shalt  }
0x4b: {  	_ =	shalt  }
0x4c: {  	_ =	shalt  }
0x4d: {  	_ =	shalt  }
0x4e: {  	_ =	shalt  }
0x4f: {  	_ =	shalt  }
0x50: {  	_ =	shalt  }
0x51: {  	_ =	shalt  }
0x52: {  	_ =	shalt  }
0x53: {  	_ =	shalt  }
0x54: {  	_ =	shalt  }
0x55: {  	_ =	shalt  }
0x56: {  	_ =	shalt  }
0x57: {  	_ =	shalt  }
0x58: {  	_ =	shalt  }
0x59: {  	_ =	shalt  }
0x5a: {  	_ =	shalt  }
0x5b: {  	_ =	shalt  }
0x5c: {  	_ =	shalt  }
0x5d: {  	_ =	shalt  }
0x5e: {  	_ =	shalt  }
0x5f: {  	_ =	shalt  }
0x60: {  	_ =	shalt  }
0x61: {  	_ =	shalt  }
0x62: {  	_ =	shalt  }
0x63: {  	_ =	shalt  }
0x64: {  	_ =	shalt  }
0x65: {  	_ =	shalt  }
0x66: {  	_ =	shalt  }
0x67: {  	_ =	shalt  }
0x68: {  	_ =	shalt  }
0x69: {  	_ =	shalt  }
0x6a: {  	_ =	shalt  }
0x6b: {  	_ =	shalt  }
0x6c: {  	_ =	shalt  }
0x6d: {  	_ =	shalt  }
0x6e: {  	_ =	shalt  }
0x6f: {  	_ =	shalt  }
0x70: {  	_ =	shalt  }
0x71: {  	_ =	shalt  }
0x72: {  	_ =	shalt  }
0x73: {  	_ =	shalt  }
0x74: {  	_ =	shalt  }
0x75: {  	_ =	shalt  }
0x76: {  	_ =	shalt  }
0x77: {  	_ =	shalt  }
0x78: {  	_ =	shalt  }
0x79: {  	_ =	shalt  }
0x7a: {  	_ =	shalt  }
0x7b: {  	_ =	shalt  }
0x7c: {  	_ =	shalt  }
0x7d: {  	_ =	shalt  }
0x7e: {  	_ =	shalt  }
0x7f: {  	_ =	shalt  }
0x80: {  	_ =	shalt  }
0x81: {  	_ =	shalt  }
0x82: {  	_ =	shalt  }
0x83: {  	_ =	shalt  }
0x84: {  	_ =	shalt  }
0x85: {  	_ =	shalt  }
0x86: {  	_ =	shalt  }
0x87: {  	_ =	shalt  }
.Lfunc_end0:
.L_simem_size_0:
called_computation_lowered:
.L_overlay_start_0:
0x88: {  	s2 =	sld [smem:$0x3FD9]  }
0x89: {  	s3 =	sld [smem:$0x3FFE];
	_ =	sdelay $0x1  }
0x8a: {  	s1 =	srdreg.scid  }
0x8b: {  	s0 =	sand.u32 $0x1, s1  }
0x8c: {  	s15 =	sshll.u32 s0, $0xA;
	s2 =	sadd.s32 s3, s2  }
0x8d: {  	s2 =	sadd.s32 s2, s15  }
0x8e: {  	[smem:$0x3FC4] =	sst s2  }
0x8f: {  	_ = 	snop  }
0x90: {  	s2 =	sld [smem:$0x3FD0];
	_ =	sdelay $0x2  }
0x91: {  	s4 =	simm.s32 $0xA;
	s5 =	simm.s32 $0x10;
	s16 =	sld [smem:$0x3FC6]  }
0x92: {  	[smem:s5], [sflag:s4] =	dma.local [hbm:s2], $0x1  }
0x93: {  	_ =	swait.eq [sflag:s4], $0x1  }
0x94: {  	[sflag:s4] =	ssyncset.done $0x0  }
0x95: {  	s17 =	sld [smem:$0x10];
	[sflag:s4] =	ssyncadd.s32 $0xFFFFFFFF  }
0x96: {  	s18 =	sld [smem:$0x11];
	(tm) =	ssettm $0x1  }
0x97: {  	s19 =	sld [smem:$0x3FFB];
	_ =	sdelay $0x3  }
0x98: {  	_ =	strace s19  }
0x99: {  	s5 =	sld [smem:$0x3FFC];
	_ =	sdelay $0x3  }
0x9a: {  	_ =	strace s5  }
0x9b: {  	s5 =	sld [smem:$0x3FFD];
	_ =	sdelay $0x3  }
0x9c: {  	_ =	strace s5  }
0x9d: {  	_ =	strace $0x8FFFFFFF  }
0x9e: {  	s20 =	sld [smem:$0x3FDB];
	_ =	sdelay $0x1  }
0x9f: {  	s6 =	simm.s32 $_scs_section_size  }
0xa0: {  	s7 =	simm.s32 $_size__tile_overlayer_lowered;
	s8 =	simm.s32 $_tile_overlayer_lowered  }
0xa1: {  	s23 =	simm.s32 $0x1BFF;
	s22 =	sshll.u32 s8, $0x1;
	s5 =	sadd.s32 s6, s20  }
0xa2: {  	s9 =	simm.s32 $0x0;
	s21 =	sshll.u32 s7, $0x1;
	s7 =	sadd.s32 s22, s5  }
0xa3: {  	[timem:s9], [sflag:s23] =	dma.local [hbm:s7], s21  }
0xa4: {  	_ =	swait.ge [sflag:s23], s21  }
0xa5: {  	s6 =	ssub.s32 $0x0, s21;
	[sflag:s23] =	ssyncset.done $0x0  }
0xa6: {  	[sflag:s23] =	ssyncadd.s32 s6;
	_ =	sdelay $0x1  }
0xa7: {  	s24 =	simm.s32 $0x1B8B  }
0xa8: {  	_ =	swait.ge [sflag:s24], $0x1  }
0xa9: {  	[sflag:s24] =	ssyncset.done $0x0  }
0xaa: {  	s25 =	simm.s32 $0x1B8E;
	[sflag:s24] =	ssyncadd.s32 $0xFFFFFFFF  }
0xab: {  	s26 =	simm.s32 $execute0_lowered;
	[smem:$0x3FD2] =	sst s25  }
0xac: {  	s6 =	sshll.u32 s26, $0x1;
	_ =	strace $0x80000046;
	[dreg:$0x1] =	wrdreg $0xFFFFFFFF  }
0xad: {  	s28 =	simm.s32 $_size_execute0_lowered;
	s5 =	sadd.s32 s5, s6;
	[dreg:$0x0] =	wrdreg $0x0  }
0xae: {  	s6 =	sshll.u32 s28, $0x1;
	[dreg:$0x2] =	wrdreg s5  }
0xaf: {  	[dreg:$0x3] =	wrdreg s6  }
0xb0: {  	[dreg:$0x4] =	wrdreg $0xC0  }
0xb1: {  	_ =	task [dreg:s9], $0x5FFFF  }
0xb2: {  	[dreg:$0x1] =	wrdreg $0xFFFFFFFF  }
0xb3: {  	[dreg:$0x0] =	wrdreg $0x60  }
0xb4: {  	[dreg:$0x2] =	wrdreg s16  }
0xb5: {  	[dreg:$0x3] =	wrdreg s17  }
0xb6: {  	[dreg:$0x4] =	wrdreg s18  }
0xb7: {  	[dreg:$0x5] =	wrdreg $0x9  }
0xb8: {  	_ =	task.clear_ibuf [dreg:s9], $0x6FFFF;
	_ =	strace $0x90000046  }
0xb9: {  	s29 =	simm.s32 $0x9;
	_ =	strace $0x80000048  }
0xba: {  	_ =	swait.ge [sflag:s29], $0x1  }
0xbb: {  	[sflag:s29] =	ssyncadd.s32 $0xFFFFFFFF  }
0xbc: {  	_ =	strace $0x90000048  }
0xbd: {  	_ =	sfence  }
0xbe: {  	s30 =	sld [smem:$0x0];
	_ =	sdelay $0x2  }
0xbf: {  	s31 =	sshll.u32 s1, $0xD;
	s1 =	sshrl.u32 s1, $0x2  }
0xc0: {  	s3 =	sand.u32 $0x4000, s31;
	s1 =	sadd.s32 s1, s30  }
0xc1: {  	s0 =	sor.u32 s3, s0;
	s1 =	sshll.u32 s1, $0x11  }
0xc2: {  	s0 =	sor.u32 s1, s0  }
0xc3: {  	s0 =	sadd.s32 $0x8F2B, s0  }
0xc4: {  	[sflag:s0] =	ssyncadd.remote.s32 $0x1  }
0xc5: {  	_ =	sfence.sel $0xFFFF  }
0xc6: {  	[dreg:$0x0] =	wrdreg $0xFFFFFFFF;
	(pc) =	sbr.abs _section_cstart, $3  }
0xc7: {  	[dreg:$0x1] =	wrdreg $0xFFFFFFFF  }
0xc8: {  	_ =	task.clear_ibuf [dreg:s9], $0x2FFFF;
	_ =	strace $0x9FFFFFFF  }
0xc9: {  	(tm) =	ssettm $0x7FFFFFFF  }
tec
execute0_lowered:
.L_overlay_start_1:
0x0: {  	(tag) =	ssettag $0x1  }
0x1: {  	s0 =	srdreg.scid  }
0x2: {  	s8 =	sand.u32 $0x1, s0;
	s0 =	stileid.u32  }
0x3: {  	s5 =	sshll.u32 s0, $0x1;
	s6 =	ssub.s32 $0x0, s8  }
0x4: {  	p0 =	sne.s32 s5, s6  }
.Ltmp0:
0x5: {  	_ = 	snop;
	(pc) =	sbr.rel @p0 .LBB2_4-.Ltmp0, $4  }
0x6: {  	s2 =	rddreg [dreg:$0x0]  }
0x7: {  	s3 =	rddreg [dreg:$0x1]  }
0x8: {  	s4 =	rddreg [dreg:$0x2]  }
0x9: {  	s1 =	rddreg [dreg:$0x3];
	_ =	strace $0x80000047  }
0xa: {  	s6 =	simm.s32 $0x0;
	s5 =	simm.s32 $0x1  }
0xb: {  	[tilespmem:s6], [sflag:$0x1] =	stream.linear.gather [hbm4b:s2+s6], $0x800, $0x38;
	[tilespmem:$0xA80] =	vst v63  }
0xc: {  	_ =	swait.ge [sflag:s5], $0x800  }
0xd: {  	[sflag:s5] =	ssyncset.done $0x0  }
0xe: {  	s7 =	simm.s32 $0x800;
	[sflag:s5] =	ssyncadd.s32 $0xFFFFF800  }
0xf: {  	[tilespmem:s7], [sflag:$0x1] =	stream.linear.gather [hbm4b:s3+s6], $0x80, $0x38;
	[tilespmem:$0xA80] =	vst v63  }
0x10: {  	_ =	swait.ge [sflag:s5], $0x80  }
0x11: {  	[sflag:s5] =	ssyncset.done $0x0  }
0x12: {  	[sflag:s5] =	ssyncadd.s32 $0xFFFFFF80  }
0x13: {  	v4 =	vld [tilespmem:$0x800];
	_ =	sdelay $0x3  }
0x14: {  	vm0 =	vmmov $0x1  }
0x15: {  	v0 =	vnsel vm0, $0x0, v4  }
0x16: {  	v0 =	vxor.u32 $0x80000000, v0  }
0x17: {  	(xrf0) =	vmax.scan.msk.u32 $0xffff, v0;
	_ =	sdelay $0x5  }
0x18: {  	v0, _, _ =	vpop (xrf0)  }
0x19: {  	(v2sf) =	vpush v0, $0xF;
	_ =	sdelay $0xd  }
0x1a: {  	vm1 =	vcmask $0x308  }
0x1b: {  	v1 =	vsel vm1, $0x0, v4;
	s9 =	spop (v2sf)  }
0x1c: {  	v1 =	vxor.u32 $0x80000000, v1;
	v0 =	vlaneseq.u32;
	s9 =	sshll.u32 s9, $0x7  }
0x1d: {  	(xrf0) =	vmax.scan.msk.u32 $0xffff, v1;
	v2 =	vor.u32 s9, v0;
	_ =	sdelay $0x4  }
0x1e: {  	v1 =	vor.u32 $0x10, v0;
	v2 =	vld.idx.msk [tilespmem:v2+s6+$0x0], $0xffff  }
0x1f: {  	v3, _, _ =	vpop (xrf0);
	v5 =	vor.u32 s9, v1  }
0x20: {  	(v2sf) =	vpush v3, $0xF;
	_ =	sdelay $0x2  }
0x21: {  	[tilespmem:$0x880] =	vst v2  }
0x22: {  	v2 =	vor.u32 $0x20, v0;
	v3 =	vld.idx.msk [tilespmem:v5+s6+$0x0], $0xffff  }
0x23: {  	v5 =	vor.u32 s9, v2;
	_ =	sdelay $0x3  }
0x24: {  	[tilespmem:$0x890] =	vst v3  }
0x25: {  	v3 =	vor.u32 $0x30, v0;
	v5 =	vld.idx.msk [tilespmem:v5+s6+$0x0], $0xffff  }
0x26: {  	v6 =	vor.u32 s9, v3;
	_ =	sdelay $0x2  }
0x27: {  	vm2 =	vcmask $0x70C  }
0x28: {  	v7 =	vsel vm2, $0x0, v4;
	s28 =	spop (v2sf);
	[tilespmem:$0x8A0] =	vst v5  }
0x29: {  	s9 =	sshll.u32 s28, $0x7;
	v5 =	vxor.u32 $0x80000000, v7;
	v6 =	vld.idx.msk [tilespmem:v6+s6+$0x0], $0xffff  }
0x2a: {  	(xrf0) =	vmax.scan.msk.u32 $0xffff, v5;
	v5 =	vor.u32 s9, v0;
	_ =	sdelay $0x3  }
0x2b: {  	[tilespmem:$0x8B0] =	vst v6  }
0x2c: {  	v5 =	vld.idx.msk [tilespmem:v5+s6+$0x0], $0xffff  }
0x2d: {  	v60 =	vor.u32 s9, v1;
	v59, _, _ =	vpop (xrf0)  }
0x2e: {  	(v2sf) =	vpush v59, $0xF;
	_ =	sdelay $0x2  }
0x2f: {  	[tilespmem:$0x900] =	vst v5  }
0x30: {  	v5 =	vld.idx.msk [tilespmem:v60+s6+$0x0], $0xffff  }
0x31: {  	v61 =	vor.u32 s9, v2;
	_ =	sdelay $0x3  }
0x32: {  	[tilespmem:$0x910] =	vst v5  }
0x33: {  	v5 =	vld.idx.msk [tilespmem:v61+s6+$0x0], $0xffff  }
0x34: {  	v62 =	vor.u32 s9, v3;
	_ =	sdelay $0x2  }
0x35: {  	vm3 =	vcmask $0xB10  }
0x36: {  	v4 =	vsel vm3, $0x0, v4;
	s29 =	spop (v2sf);
	[tilespmem:$0x920] =	vst v5  }
0x37: {  	v4 =	vxor.u32 $0x80000000, v4;
	s9 =	sshll.u32 s29, $0x7;
	v5 =	vld.idx.msk [tilespmem:v62+s6+$0x0], $0xffff  }
0x38: {  	(xrf0) =	vmax.scan.msk.u32 $0xffff, v4;
	v4 =	vor.u32 s9, v0;
	_ =	sdelay $0x3  }
0x39: {  	[tilespmem:$0x930] =	vst v5  }
0x3a: {  	v4 =	vld.idx.msk [tilespmem:v4+s6+$0x0], $0xffff  }
0x3b: {  	v63 =	vor.u32 s9, v1;
	v5, _, _ =	vpop (xrf0)  }
0x3c: {  	(v2sf) =	vpush v5, $0xF;
	_ =	sdelay $0x2  }
0x3d: {  	[tilespmem:$0x980] =	vst v4  }
0x3e: {  	v4 =	vld.idx.msk [tilespmem:v63+s6+$0x0], $0xffff  }
0x3f: {  	v5 =	vor.u32 s9, v2;
	_ =	sdelay $0x3  }
0x40: {  	[tilespmem:$0x990] =	vst v4  }
0x41: {  	v4 =	vld.idx.msk [tilespmem:v5+s6+$0x0], $0xffff  }
0x42: {  	v5 =	vor.u32 s9, v3;
	_ =	sdelay $0x3  }
0x43: {  	s30 =	spop (v2sf);
	[tilespmem:$0x9A0] =	vst v4  }
0x44: {  	s9 =	sshll.u32 s30, $0x7;
	v4 =	vld.idx.msk [tilespmem:v5+s6+$0x0], $0xffff  }
0x45: {  	v5 =	vor.u32 s9, v0;
	_ =	sdelay $0x3  }
0x46: {  	[tilespmem:$0x9B0] =	vst v4  }
0x47: {  	v4 =	vld.idx.msk [tilespmem:v5+s6+$0x0], $0xffff  }
0x48: {  	v5 =	vor.u32 s9, v1;
	_ =	sdelay $0x3  }
0x49: {  	[tilespmem:$0xA00] =	vst v4  }
0x4a: {  	v4 =	vld.idx.msk [tilespmem:v5+s6+$0x0], $0xffff  }
0x4b: {  	v5 =	vor.u32 s9, v2;
	_ =	sdelay $0x3  }
0x4c: {  	[tilespmem:$0xA10] =	vst v4  }
0x4d: {  	v4 =	vld.idx.msk [tilespmem:v5+s6+$0x0], $0xffff  }
0x4e: {  	v5 =	vor.u32 s9, v3;
	_ =	sdelay $0x3  }
0x4f: {  	s8 =	ssub.s32 $0x2, s8;
	[tilespmem:$0xA20] =	vst v4  }
0x50: {  	s31 =	sshrl.u32 s8, $0x1;
	v4 =	vld.idx.msk [tilespmem:v5+s6+$0x0], $0xffff  }
0x51: {  	s8 =	ssub.s32 s8, s31  }
0x52: {  	s9 =	smax.u32 s8, $0x1  }
0x53: {  	p0 =	sne.s32 s9, $0x1  }
.Ltmp1:
0x54: {  	_ = 	snop;
	(pc) =	sbr.rel @!p0 .LBB2_3-.Ltmp1, $4  }
0x55: {  	s8 =	simm.s32 $0x880;
	[tilespmem:$0xA30] =	vst v4  }
0x56: {  	[hbm4b:s4+s6] =	stream.linear.scatter [tilespmem:s8], [sflag:$0x1], $0x200, $0x38;
	[tilespmem:$0xA80] =	vst v63  }
0x57: {  	_ =	swait.ge [sflag:s5], $0x200  }
0x58: {  	s9 =	sadd.s32 $0xFFFFFFFF, s9;
	[sflag:s5] =	ssyncset.done $0x0  }
.LBB2_2:
0x59: {  	p0 =	sne.s32 s9, $0x1;
	s9 =	sadd.s32 $0xFFFFFFFF, s9;
	[sflag:s5] =	ssyncadd.s32 $0xFFFFFE00  }
0x5a: {  	[tilespmem:s6], [sflag:$0x1] =	stream.linear.gather [hbm4b:s2+s6], $0x800, $0x38;
	[tilespmem:$0xA80] =	vst v63  }
0x5b: {  	_ =	swait.ge [sflag:s5], $0x800  }
0x5c: {  	[sflag:s5] =	ssyncset.done $0x0  }
0x5d: {  	[sflag:s5] =	ssyncadd.s32 $0xFFFFF800  }
0x5e: {  	[tilespmem:s7], [sflag:$0x1] =	stream.linear.gather [hbm4b:s3+s6], $0x80, $0x38;
	[tilespmem:$0xA80] =	vst v63  }
0x5f: {  	_ =	swait.ge [sflag:s5], $0x80  }
0x60: {  	[sflag:s5] =	ssyncset.done $0x0  }
0x61: {  	[sflag:s5] =	ssyncadd.s32 $0xFFFFFF80  }
0x62: {  	v4 =	vld [tilespmem:$0x800];
	_ =	sdelay $0x4  }
0x63: {  	v5 =	vnsel vm0, $0x0, v4;
	v6 =	vsel vm1, $0x0, v4;
	v7 =	vsel vm2, $0x0, v4  }
0x64: {  	v5 =	vxor.u32 $0x80000000, v5;
	v6 =	vxor.u32 $0x80000000, v6;
	v7 =	vxor.u32 $0x80000000, v7  }
0x65: {  	v4 =	vsel vm3, $0x0, v4;
	(xrf0) =	vmax.scan.msk.u32 $0xffff, v5  }
0x66: {  	v4 =	vxor.u32 $0x80000000, v4;
	(xrf0) =	vmax.scan.msk.u32 $0xffff, v6  }
0x67: {  	(xrf0) =	vmax.scan.msk.u32 $0xffff, v7  }
0x68: {  	(xrf0) =	vmax.scan.msk.u32 $0xffff, v4;
	_ =	sdelay $0x2  }
0x69: {  	v4, _, _ =	vpop (xrf0)  }
0x6a: {  	(v2sf) =	vpush v4, $0xF;
	v4, _, _ =	vpop (xrf0)  }
0x6b: {  	(v2sf) =	vpush v4, $0xF;
	v4, _, _ =	vpop (xrf0)  }
0x6c: {  	(v2sf) =	vpush v4, $0xF;
	v4, _, _ =	vpop (xrf0)  }
0x6d: {  	(v2sf) =	vpush v4, $0xF;
	_ =	sdelay $0xb  }
0x6e: {  	s10 =	spop (v2sf)  }
0x6f: {  	s13 =	sshll.u32 s10, $0x7;
	s10 =	spop (v2sf)  }
0x70: {  	v4 =	vor.u32 s13, v0;
	s12 =	sshll.u32 s10, $0x7;
	s10 =	spop (v2sf)  }
0x71: {  	s11 =	sshll.u32 s10, $0x7;
	s10 =	spop (v2sf)  }
0x72: {  	s10 =	sshll.u32 s10, $0x7;
	_ =	sdelay $0x2  }
0x73: {  	v4 =	vld.idx.msk [tilespmem:v4+s6+$0x0], $0xffff;
	_ =	sdelay $0x1  }
0x74: {  	v5 =	vor.u32 s13, v1;
	_ =	sdelay $0x3  }
0x75: {  	[tilespmem:$0x880] =	vst v4  }
0x76: {  	v4 =	vld.idx.msk [tilespmem:v5+s6+$0x0], $0xffff;
	_ =	sdelay $0x1  }
0x77: {  	v5 =	vor.u32 s13, v2;
	_ =	sdelay $0x3  }
0x78: {  	[tilespmem:$0x890] =	vst v4  }
0x79: {  	v4 =	vld.idx.msk [tilespmem:v5+s6+$0x0], $0xffff;
	_ =	sdelay $0x1  }
0x7a: {  	v5 =	vor.u32 s13, v3;
	_ =	sdelay $0x3  }
0x7b: {  	[tilespmem:$0x8A0] =	vst v4  }
0x7c: {  	v4 =	vld.idx.msk [tilespmem:v5+s6+$0x0], $0xffff;
	_ =	sdelay $0x1  }
0x7d: {  	v5 =	vor.u32 s12, v0;
	_ =	sdelay $0x3  }
0x7e: {  	[tilespmem:$0x8B0] =	vst v4  }
0x7f: {  	v4 =	vld.idx.msk [tilespmem:v5+s6+$0x0], $0xffff;
	_ =	sdelay $0x1  }
0x80: {  	v5 =	vor.u32 s12, v1;
	_ =	sdelay $0x3  }
0x81: {  	[tilespmem:$0x900] =	vst v4  }
0x82: {  	v4 =	vld.idx.msk [tilespmem:v5+s6+$0x0], $0xffff;
	_ =	sdelay $0x1  }
0x83: {  	v5 =	vor.u32 s12, v2;
	_ =	sdelay $0x3  }
0x84: {  	[tilespmem:$0x910] =	vst v4  }
0x85: {  	v4 =	vld.idx.msk [tilespmem:v5+s6+$0x0], $0xffff;
	_ =	sdelay $0x1  }
0x86: {  	v5 =	vor.u32 s12, v3;
	_ =	sdelay $0x3  }
0x87: {  	[tilespmem:$0x920] =	vst v4  }
0x88: {  	v4 =	vld.idx.msk [tilespmem:v5+s6+$0x0], $0xffff;
	_ =	sdelay $0x1  }
0x89: {  	v5 =	vor.u32 s11, v0;
	_ =	sdelay $0x3  }
0x8a: {  	[tilespmem:$0x930] =	vst v4  }
0x8b: {  	v4 =	vld.idx.msk [tilespmem:v5+s6+$0x0], $0xffff;
	_ =	sdelay $0x1  }
0x8c: {  	v5 =	vor.u32 s11, v1;
	_ =	sdelay $0x3  }
0x8d: {  	[tilespmem:$0x980] =	vst v4  }
0x8e: {  	v4 =	vld.idx.msk [tilespmem:v5+s6+$0x0], $0xffff;
	_ =	sdelay $0x1  }
0x8f: {  	v5 =	vor.u32 s11, v2;
	_ =	sdelay $0x3  }
0x90: {  	[tilespmem:$0x990] =	vst v4  }
0x91: {  	v4 =	vld.idx.msk [tilespmem:v5+s6+$0x0], $0xffff;
	_ =	sdelay $0x1  }
0x92: {  	v5 =	vor.u32 s11, v3;
	_ =	sdelay $0x3  }
0x93: {  	[tilespmem:$0x9A0] =	vst v4  }
0x94: {  	v4 =	vld.idx.msk [tilespmem:v5+s6+$0x0], $0xffff;
	_ =	sdelay $0x1  }
0x95: {  	v5 =	vor.u32 s10, v0;
	_ =	sdelay $0x3  }
0x96: {  	[tilespmem:$0x9B0] =	vst v4  }
0x97: {  	v4 =	vld.idx.msk [tilespmem:v5+s6+$0x0], $0xffff;
	_ =	sdelay $0x1  }
0x98: {  	v5 =	vor.u32 s10, v1;
	_ =	sdelay $0x3  }
0x99: {  	[tilespmem:$0xA00] =	vst v4  }
0x9a: {  	v4 =	vld.idx.msk [tilespmem:v5+s6+$0x0], $0xffff;
	_ =	sdelay $0x1  }
0x9b: {  	v5 =	vor.u32 s10, v2;
	_ =	sdelay $0x3  }
0x9c: {  	[tilespmem:$0xA10] =	vst v4  }
0x9d: {  	v4 =	vld.idx.msk [tilespmem:v5+s6+$0x0], $0xffff;
	_ =	sdelay $0x1  }
0x9e: {  	v5 =	vor.u32 s10, v3;
	_ =	sdelay $0x3  }
0x9f: {  	[tilespmem:$0xA20] =	vst v4  }
0xa0: {  	v4 =	vld.idx.msk [tilespmem:v5+s6+$0x0], $0xffff;
	_ =	sdelay $0x4  }
.Ltmp2:
0xa1: {  	(pc) =	sbr.rel @p0 .LBB2_2-.Ltmp2, $4  }
0xa2: {  	[tilespmem:$0xA30] =	vst v4  }
0xa3: {  	[hbm4b:s4+s6] =	stream.linear.scatter [tilespmem:s8], [sflag:$0x1], $0x200, $0x38;
	[tilespmem:$0xA80] =	vst v63  }
0xa4: {  	_ =	swait.ge [sflag:s5], $0x200  }
0xa5: {  	[sflag:s5] =	ssyncset.done $0x0  }
.LBB2_3:
0xa6: {  	[sflag:s5] =	ssyncadd.s32 $0xFFFFFE00  }
.LBB2_4:
0xa7: {  	_ =	sfence.sel $0x180000  }
0xa8: {  	[bflag:$0x0] =	sbarrier.arrive $0xFFFF  }
0xa9: {  	p0 =	sne.s32 s0, $0x0;
	_ =	strace $0x90000047  }
0xaa: {  	s0 =	sadd.s32 @!p0 $0x100000, s1;
	[bflag:$0x2] =	sbarrier.arrive $0xFFFF  }
0xab: {  	[sflag:s0] =	ssyncadd.tile.s32 @!p0 $0x1;
	_ =	shalt  }
.Lfunc_end2:
_tile_overlayer_lowered:
.L_overlay_start_2:
0xac: {  	(tag) =	ssettag $0x2  }
0xad: {  	s0 =	rddreg [dreg:$0x0];
	s2 =	stileid.u32  }
0xae: {  	s1 =	rddreg [dreg:$0x1];
	p0 =	sne.s32 s2, $0x0  }
0xaf: {  	s3 =	rddreg [dreg:$0x2];
	[bflag:$0x3] =	sbarrier.arrive $0xFFFF;
	s2 =	simm.s32 @!p0 $0x1C01  }
0xb0: {  	[timem:s3], [sflag:s2] =	dma.local @!p0 [hbm:s0], s1  }
0xb1: {  	s0 =	simm.s32 @!p0 $0x1  }
0xb2: {  	_ =	swait.ge @!p0 [sflag:s0], s1  }
0xb3: {  	s1 =	ssub.s32 @!p0 $0x0, s1;
	[sflag:s0] =	ssyncset.done @!p0 $0x0  }
0xb4: {  	[sflag:s0] =	ssyncadd.s32 @!p0 s1  }
0xb5: {  	[bflag:$0x3] =	sbarrier.arrive $0xFFFF  }
0xb6: {  	_ =	shalt  }

</sc_bundles>
